<compile_context>
chip_gen: v7x
topology: tpu7x:2x2x1
jax: 0.10.2.dev20260603
libtpu: 0.0.44.dev20260713+nightly
codegen_flags: <defaults>
</compile_context>

<pallas_src>
import functools

import jax
import jax.numpy as jnp
from jax import lax
from jax.experimental import pallas as pl
from jax.experimental.pallas import tpu as pltpu
from jax.experimental.pallas import tpu_sc as plsc

D = 64
B = 16384 * 50
NW = 32
BPW = B // NW
C = 400
NBUF = 4
NCH = BPW // C

_mesh = plsc.VectorSubcoreMesh(core_axis_name="c", subcore_axis_name="s")


@functools.partial(
    pl.kernel,
    out_type=jax.ShapeDtypeStruct((B, D), jnp.float32),
    mesh=_mesh,
    compiler_params=pltpu.CompilerParams(use_tc_tiling_on_sc=False),
    scratch_types=(
        [pltpu.VMEM((BPW,), jnp.int32)]
        + [pltpu.VMEM((C, D), jnp.float32)] * NBUF
        + [pltpu.SemaphoreType.DMA] * NBUF
        + [pltpu.SemaphoreType.DMA] * NBUF
    ),
)
def _embedding_gather(idx_hbm, table_hbm, out_hbm, idx_v, *bufs):
    rows = bufs[:NBUF]
    gsem = bufs[NBUF:2 * NBUF]
    wsem = bufs[2 * NBUF:]
    wid = lax.axis_index("s") * 2 + lax.axis_index("c")
    base = wid * BPW

    pltpu.sync_copy(idx_hbm.at[pl.ds(base, BPW)], idx_v)

    def gather_start(j, p):
        pltpu.make_async_copy(
            table_hbm.at[idx_v.at[pl.ds(j * C, C)]], rows[p], gsem[p]
        ).start()

    def gather_wait(p):
        pltpu.make_async_copy(
            table_hbm.at[idx_v.at[pl.ds(0, C)]], rows[p], gsem[p]
        ).wait()

    def write_start(j, p):
        pltpu.make_async_copy(
            rows[p], out_hbm.at[pl.ds(base + j * C, C)], wsem[p]
        ).start()

    def write_wait(p):
        pltpu.make_async_copy(
            rows[p], out_hbm.at[pl.ds(base, C)], wsem[p]
        ).wait()

    for j in range(NBUF - 1):
        gather_start(j, j)

    @pl.loop(0, NCH, step=NBUF)
    def _chunks(j0):
        for b in range(NBUF):
            j = j0 + b
            p = b
            gather_wait(p)

            q = (b - 1) % NBUF

            @pl.when(j >= 1)
            def _():
                write_wait(q)

            @pl.when(j + NBUF - 1 < NCH)
            def _():
                gather_start(j + NBUF - 1, q)

            write_start(j, p)

    write_wait((NCH - 1) % NBUF)


def kernel(x, table):
    n, s = x.shape
    flat = x.T.reshape(-1).astype(jnp.int32)
    out = _embedding_gather(flat, table)
    return out.reshape(s, n, D).transpose(1, 0, 2)

# --- scband reference (transcript-rebuilt; emitter-appended) ---
"""Pipeline reference for scband-pretrained-embedding-21311627723134 (READ-ONLY COPY).

The authoritative reference and input builder live on the scoring server;
editing this copy changes nothing except your own understanding.
"""

import jax, jax.numpy as jnp
import numpy as np

NUM_EMBEDDINGS = 1000000
EMBEDDING_DIM = 64

def setup_inputs(seed: int = 0) -> dict:
    key = jax.random.key(seed)
    k_idx, k_tab = jax.random.split(key)
    x = jax.random.randint(k_idx, (16384, 50), 0, NUM_EMBEDDINGS, dtype=jnp.int64 if jax.config.read('jax_enable_x64') else jnp.int32)
    table = jax.random.normal(k_tab, (NUM_EMBEDDINGS, EMBEDDING_DIM), dtype=jnp.float32)
    return {"x": x, "table": table}

def reference(x, table):
    # nn.Embedding forward: gather rows of the weight table by index
    return jnp.take(table, x, axis=0)

if __name__ == "__main__":
    import jax
    _d = setup_inputs()
    print(jax.jit(kernel)(*tuple(_d.values())))

</pallas_src>

<mosaic_0001>
#map = affine_map<(d0, d1) -> (0)>
#map1 = affine_map<(d0, d1) -> (0, 0)>
module attributes {stable_mosaic.version = 14 : i64} {
  func.func @_embedding_gather(%arg0: i32, %arg1: i32, %arg2: memref<819200xi32, #tpu.memory_space<hbm>>, %arg3: memref<1000000x64xf32, #tpu.memory_space<hbm>>, %arg4: memref<819200x64xf32, #tpu.memory_space<hbm>>, %arg5: memref<25600xi32, #tpu.memory_space<vmem>>, %arg6: memref<400x64xf32, #tpu.memory_space<vmem>>, %arg7: memref<400x64xf32, #tpu.memory_space<vmem>>, %arg8: memref<400x64xf32, #tpu.memory_space<vmem>>, %arg9: memref<400x64xf32, #tpu.memory_space<vmem>>, %arg10: memref<!tpu.dma_semaphore, #tpu.memory_space<semaphore_mem>>, %arg11: memref<!tpu.dma_semaphore, #tpu.memory_space<semaphore_mem>>, %arg12: memref<!tpu.dma_semaphore, #tpu.memory_space<semaphore_mem>>, %arg13: memref<!tpu.dma_semaphore, #tpu.memory_space<semaphore_mem>>, %arg14: memref<!tpu.dma_semaphore, #tpu.memory_space<semaphore_mem>>, %arg15: memref<!tpu.dma_semaphore, #tpu.memory_space<semaphore_mem>>, %arg16: memref<!tpu.dma_semaphore, #tpu.memory_space<semaphore_mem>>, %arg17: memref<!tpu.dma_semaphore, #tpu.memory_space<semaphore_mem>>) attributes {dimension_semantics = [#tpu.dimension_semantics<core_parallel>, #tpu.dimension_semantics<subcore_parallel>], iteration_bounds = array<i64: 2, 16>, scalar_prefetch = 0 : i64, scratch_operands = 13 : i64, tpu.core_type = #tpu.core_type<sc_vector_subcore>, window_params = [{transform_indices = #map}, {transform_indices = #map1}, {transform_indices = #map1}]} {
    %mul3A = arith.constant 2 : i32
    %mul3A_0 = arith.muli %arg1, %mul3A : i32
    %add3A = arith.addi %mul3A_0, %arg0 : i32
    %mul3A_1 = arith.constant 25600 : i32
    %mul3A_2 = arith.muli %add3A, %mul3A_1 : i32
    "tpu.region"() ({
      %run_scoped3A = tpu.sem_alloc : memref<!tpu.dma_semaphore, #tpu.memory_space<semaphore_mem>>
      %dma_start3A_24 = tpu.memref_slice %arg2[%mul3A_2] : memref<819200xi32, #tpu.memory_space<hbm>> -> memref<25600xi32, #tpu.memory_space<hbm>>
      %dma_start3A_25 = tpu.memref_slice %arg2[%mul3A_2] : memref<819200xi32, #tpu.memory_space<hbm>> -> memref<25600xi32, #tpu.memory_space<hbm>>
      tpu.enqueue_dma source(%dma_start3A_25 : memref<25600xi32, #tpu.memory_space<hbm>>) target(%arg5 : memref<25600xi32, #tpu.memory_space<vmem>>) target_semaphore(%run_scoped3A : memref<!tpu.dma_semaphore, #tpu.memory_space<semaphore_mem>>)
      %dma_wait3A_26 = tpu.memref_slice %arg2[%mul3A_2] : memref<819200xi32, #tpu.memory_space<hbm>> -> memref<25600xi32, #tpu.memory_space<hbm>>
      %dma_wait3A_27 = tpu.memref_slice %arg2[%mul3A_2] : memref<819200xi32, #tpu.memory_space<hbm>> -> memref<25600xi32, #tpu.memory_space<hbm>>
      tpu.wait_dma2 semaphore(%run_scoped3A : memref<!tpu.dma_semaphore, #tpu.memory_space<semaphore_mem>>) src(%dma_wait3A_27 : memref<25600xi32, #tpu.memory_space<hbm>>) dst(%arg5 : memref<25600xi32, #tpu.memory_space<vmem>>)
      tpu.yield
    }) : () -> ()
    %dma_start3A = arith.constant 0 : i32
    %dma_start3A_3 = tpu.memref_slice %arg5[%dma_start3A] : memref<25600xi32, #tpu.memory_space<vmem>> -> memref<400xi32, #tpu.memory_space<vmem>>
    %dma_start3A_4 = arith.constant 0 : i32
    %dma_start3A_5 = arith.constant 0 : i32
    %dma_start3A_6 = tpu.memref_slice %arg3[%dma_start3A_4, %dma_start3A_5] : memref<1000000x64xf32, #tpu.memory_space<hbm>> -> memref<1000000x64xf32, #tpu.memory_space<hbm>>
    tpu.enqueue_indirect_dma source(%dma_start3A_6 : memref<1000000x64xf32, #tpu.memory_space<hbm>>) target(%arg6 : memref<400x64xf32, #tpu.memory_space<vmem>>) offsets(%dma_start3A_3 : memref<400xi32, #tpu.memory_space<vmem>>) semaphore(%arg10 : memref<!tpu.dma_semaphore, #tpu.memory_space<semaphore_mem>>)
    %dma_start3A_7 = arith.constant 400 : i32
    %dma_start3A_8 = tpu.memref_slice %arg5[%dma_start3A_7] : memref<25600xi32, #tpu.memory_space<vmem>> -> memref<400xi32, #tpu.memory_space<vmem>>
    %dma_start3A_9 = arith.constant 0 : i32
    %dma_start3A_10 = arith.constant 0 : i32
    %dma_start3A_11 = tpu.memref_slice %arg3[%dma_start3A_9, %dma_start3A_10] : memref<1000000x64xf32, #tpu.memory_space<hbm>> -> memref<1000000x64xf32, #tpu.memory_space<hbm>>
    tpu.enqueue_indirect_dma source(%dma_start3A_11 : memref<1000000x64xf32, #tpu.memory_space<hbm>>) target(%arg7 : memref<400x64xf32, #tpu.memory_space<vmem>>) offsets(%dma_start3A_8 : memref<400xi32, #tpu.memory_space<vmem>>) semaphore(%arg11 : memref<!tpu.dma_semaphore, #tpu.memory_space<semaphore_mem>>)
    %dma_start3A_12 = arith.constant 800 : i32
    %dma_start3A_13 = tpu.memref_slice %arg5[%dma_start3A_12] : memref<25600xi32, #tpu.memory_space<vmem>> -> memref<400xi32, #tpu.memory_space<vmem>>
    %dma_start3A_14 = arith.constant 0 : i32
    %dma_start3A_15 = arith.constant 0 : i32
    %dma_start3A_16 = tpu.memref_slice %arg3[%dma_start3A_14, %dma_start3A_15] : memref<1000000x64xf32, #tpu.memory_space<hbm>> -> memref<1000000x64xf32, #tpu.memory_space<hbm>>
    tpu.enqueue_indirect_dma source(%dma_start3A_16 : memref<1000000x64xf32, #tpu.memory_space<hbm>>) target(%arg8 : memref<400x64xf32, #tpu.memory_space<vmem>>) offsets(%dma_start3A_13 : memref<400xi32, #tpu.memory_space<vmem>>) semaphore(%arg12 : memref<!tpu.dma_semaphore, #tpu.memory_space<semaphore_mem>>)
    %scan3A = arith.constant 0 : i32
    %scan3A_17 = arith.constant 16 : i32
    %scan3A_18 = arith.addi %scan3A, %scan3A_17 : i32
    %scan3A_19 = arith.constant 1 : i32
    scf.for %scan3A_24 = %scan3A to %scan3A_18 step %scan3A_19  : i32 {
      %mul3A_25 = arith.constant 4 : i32
      %mul3A_26 = arith.muli %scan3A_24, %mul3A_25 : i32
      %add3A_27 = arith.constant 0 : i32
      %add3A_28 = arith.addi %add3A_27, %mul3A_26 : i32
      %add3A_29 = arith.constant 0 : i32
      %add3A_30 = arith.addi %add3A_28, %add3A_29 : i32
      %dma_wait3A_31 = arith.constant 0 : i32
      %dma_wait3A_32 = tpu.memref_slice %arg5[%dma_wait3A_31] : memref<25600xi32, #tpu.memory_space<vmem>> -> memref<400xi32, #tpu.memory_space<vmem>>
      %dma_wait3A_33 = arith.constant 0 : i32
      %dma_wait3A_34 = arith.constant 0 : i32
      %dma_wait3A_35 = tpu.memref_slice %arg3[%dma_wait3A_33, %dma_wait3A_34] : memref<1000000x64xf32, #tpu.memory_space<hbm>> -> memref<1000000x64xf32, #tpu.memory_space<hbm>>
      tpu.wait_indirect_dma semaphore(%arg10 : memref<!tpu.dma_semaphore, #tpu.memory_space<semaphore_mem>>) src(%dma_wait3A_35 : memref<1000000x64xf32, #tpu.memory_space<hbm>>) dst(%arg6 : memref<400x64xf32, #tpu.memory_space<vmem>>)
      %ge3A = arith.constant 1 : i32
      %ge3A_36 = arith.cmpi sge, %add3A_30, %ge3A : i32
      %convert_element_type3A = arith.extui %ge3A_36 : i1 to i32
      %cond3A = arith.constant 0 : i32
      %cond3A_37 = arith.cmpi ne, %convert_element_type3A, %cond3A : i32
      scf.if %cond3A_37 {
        %dma_wait3A_136 = arith.constant 0 : i32
        %dma_wait3A_137 = tpu.memref_slice %arg4[%mul3A_2, %dma_wait3A_136] : memref<819200x64xf32, #tpu.memory_space<hbm>> -> memref<400x64xf32, #tpu.memory_space<hbm>>
        %dma_wait3A_138 = arith.constant 0 : i32
        %dma_wait3A_139 = tpu.memref_slice %arg4[%mul3A_2, %dma_wait3A_138] : memref<819200x64xf32, #tpu.memory_space<hbm>> -> memref<400x64xf32, #tpu.memory_space<hbm>>
        tpu.wait_dma2 semaphore(%arg17 : memref<!tpu.dma_semaphore, #tpu.memory_space<semaphore_mem>>) src(%arg9 : memref<400x64xf32, #tpu.memory_space<vmem>>) dst(%dma_wait3A_139 : memref<400x64xf32, #tpu.memory_space<hbm>>)
      } else {
      }
      %add3A_38 = arith.constant 4 : i32
      %add3A_39 = arith.addi %add3A_30, %add3A_38 : i32
      %sub3A = arith.constant 1 : i32
      %sub3A_40 = arith.subi %add3A_39, %sub3A : i32
      %lt3A = arith.constant 64 : i32
      %lt3A_41 = arith.cmpi slt, %sub3A_40, %lt3A : i32
      %convert_element_type3A_42 = arith.extui %lt3A_41 : i1 to i32
      %cond3A_43 = arith.constant 0 : i32
      %cond3A_44 = arith.cmpi ne, %convert_element_type3A_42, %cond3A_43 : i32
      scf.if %cond3A_44 {
        %add3A_136 = arith.constant 4 : i32
        %add3A_137 = arith.addi %add3A_30, %add3A_136 : i32
        %sub3A_138 = arith.constant 1 : i32
        %sub3A_139 = arith.subi %add3A_137, %sub3A_138 : i32
        %mul3A_140 = arith.constant 400 : i32
        %mul3A_141 = arith.muli %sub3A_139, %mul3A_140 : i32
        %dma_start3A_142 = tpu.memref_slice %arg5[%mul3A_141] : memref<25600xi32, #tpu.memory_space<vmem>> -> memref<400xi32, #tpu.memory_space<vmem>>
        %dma_start3A_143 = arith.constant 0 : i32
        %dma_start3A_144 = arith.constant 0 : i32
        %dma_start3A_145 = tpu.memref_slice %arg3[%dma_start3A_143, %dma_start3A_144] : memref<1000000x64xf32, #tpu.memory_space<hbm>> -> memref<1000000x64xf32, #tpu.memory_space<hbm>>
        tpu.enqueue_indirect_dma source(%dma_start3A_145 : memref<1000000x64xf32, #tpu.memory_space<hbm>>) target(%arg9 : memref<400x64xf32, #tpu.memory_space<vmem>>) offsets(%dma_start3A_142 : memref<400xi32, #tpu.memory_space<vmem>>) semaphore(%arg13 : memref<!tpu.dma_semaphore, #tpu.memory_space<semaphore_mem>>)
      } else {
      }
      %mul3A_45 = arith.constant 400 : i32
      %mul3A_46 = arith.muli %add3A_30, %mul3A_45 : i32
      %add3A_47 = arith.addi %mul3A_2, %mul3A_46 : i32
      %dma_start3A_48 = arith.constant 0 : i32
      %dma_start3A_49 = tpu.memref_slice %arg4[%add3A_47, %dma_start3A_48] : memref<819200x64xf32, #tpu.memory_space<hbm>> -> memref<400x64xf32, #tpu.memory_space<hbm>>
      %dma_start3A_50 = arith.constant 0 : i32
      %dma_start3A_51 = tpu.memref_slice %arg4[%add3A_47, %dma_start3A_50] : memref<819200x64xf32, #tpu.memory_space<hbm>> -> memref<400x64xf32, #tpu.memory_space<hbm>>
      tpu.enqueue_dma source(%arg6 : memref<400x64xf32, #tpu.memory_space<vmem>>) target(%dma_start3A_51 : memref<400x64xf32, #tpu.memory_space<hbm>>) target_semaphore(%arg14 : memref<!tpu.dma_semaphore, #tpu.memory_space<semaphore_mem>>)
      %add3A_52 = arith.constant 1 : i32
      %add3A_53 = arith.addi %add3A_28, %add3A_52 : i32
      %dma_wait3A_54 = arith.constant 0 : i32
      %dma_wait3A_55 = tpu.memref_slice %arg5[%dma_wait3A_54] : memref<25600xi32, #tpu.memory_space<vmem>> -> memref<400xi32, #tpu.memory_space<vmem>>
      %dma_wait3A_56 = arith.constant 0 : i32
      %dma_wait3A_57 = arith.constant 0 : i32
      %dma_wait3A_58 = tpu.memref_slice %arg3[%dma_wait3A_56, %dma_wait3A_57] : memref<1000000x64xf32, #tpu.memory_space<hbm>> -> memref<1000000x64xf32, #tpu.memory_space<hbm>>
      tpu.wait_indirect_dma semaphore(%arg11 : memref<!tpu.dma_semaphore, #tpu.memory_space<semaphore_mem>>) src(%dma_wait3A_58 : memref<1000000x64xf32, #tpu.memory_space<hbm>>) dst(%arg7 : memref<400x64xf32, #tpu.memory_space<vmem>>)
      %ge3A_59 = arith.constant 1 : i32
      %ge3A_60 = arith.cmpi sge, %add3A_53, %ge3A_59 : i32
      %convert_element_type3A_61 = arith.extui %ge3A_60 : i1 to i32
      %cond3A_62 = arith.constant 0 : i32
      %cond3A_63 = arith.cmpi ne, %convert_element_type3A_61, %cond3A_62 : i32
      scf.if %cond3A_63 {
        %dma_wait3A_136 = arith.constant 0 : i32
        %dma_wait3A_137 = tpu.memref_slice %arg4[%mul3A_2, %dma_wait3A_136] : memref<819200x64xf32, #tpu.memory_space<hbm>> -> memref<400x64xf32, #tpu.memory_space<hbm>>
        %dma_wait3A_138 = arith.constant 0 : i32
        %dma_wait3A_139 = tpu.memref_slice %arg4[%mul3A_2, %dma_wait3A_138] : memref<819200x64xf32, #tpu.memory_space<hbm>> -> memref<400x64xf32, #tpu.memory_space<hbm>>
        tpu.wait_dma2 semaphore(%arg14 : memref<!tpu.dma_semaphore, #tpu.memory_space<semaphore_mem>>) src(%arg6 : memref<400x64xf32, #tpu.memory_space<vmem>>) dst(%dma_wait3A_139 : memref<400x64xf32, #tpu.memory_space<hbm>>)
      } else {
      }
      %add3A_64 = arith.constant 4 : i32
      %add3A_65 = arith.addi %add3A_53, %add3A_64 : i32
      %sub3A_66 = arith.constant 1 : i32
      %sub3A_67 = arith.subi %add3A_65, %sub3A_66 : i32
      %lt3A_68 = arith.constant 64 : i32
      %lt3A_69 = arith.cmpi slt, %sub3A_67, %lt3A_68 : i32
      %convert_element_type3A_70 = arith.extui %lt3A_69 : i1 to i32
      %cond3A_71 = arith.constant 0 : i32
      %cond3A_72 = arith.cmpi ne, %convert_element_type3A_70, %cond3A_71 : i32
      scf.if %cond3A_72 {
        %add3A_136 = arith.constant 4 : i32
        %add3A_137 = arith.addi %add3A_53, %add3A_136 : i32
        %sub3A_138 = arith.constant 1 : i32
        %sub3A_139 = arith.subi %add3A_137, %sub3A_138 : i32
        %mul3A_140 = arith.constant 400 : i32
        %mul3A_141 = arith.muli %sub3A_139, %mul3A_140 : i32
        %dma_start3A_142 = tpu.memref_slice %arg5[%mul3A_141] : memref<25600xi32, #tpu.memory_space<vmem>> -> memref<400xi32, #tpu.memory_space<vmem>>
        %dma_start3A_143 = arith.constant 0 : i32
        %dma_start3A_144 = arith.constant 0 : i32
        %dma_start3A_145 = tpu.memref_slice %arg3[%dma_start3A_143, %dma_start3A_144] : memref<1000000x64xf32, #tpu.memory_space<hbm>> -> memref<1000000x64xf32, #tpu.memory_space<hbm>>
        tpu.enqueue_indirect_dma source(%dma_start3A_145 : memref<1000000x64xf32, #tpu.memory_space<hbm>>) target(%arg6 : memref<400x64xf32, #tpu.memory_space<vmem>>) offsets(%dma_start3A_142 : memref<400xi32, #tpu.memory_space<vmem>>) semaphore(%arg10 : memref<!tpu.dma_semaphore, #tpu.memory_space<semaphore_mem>>)
      } else {
      }
      %mul3A_73 = arith.constant 400 : i32
      %mul3A_74 = arith.muli %add3A_53, %mul3A_73 : i32
      %add3A_75 = arith.addi %mul3A_2, %mul3A_74 : i32
      %dma_start3A_76 = arith.constant 0 : i32
      %dma_start3A_77 = tpu.memref_slice %arg4[%add3A_75, %dma_start3A_76] : memref<819200x64xf32, #tpu.memory_space<hbm>> -> memref<400x64xf32, #tpu.memory_space<hbm>>
      %dma_start3A_78 = arith.constant 0 : i32
      %dma_start3A_79 = tpu.memref_slice %arg4[%add3A_75, %dma_start3A_78] : memref<819200x64xf32, #tpu.memory_space<hbm>> -> memref<400x64xf32, #tpu.memory_space<hbm>>
      tpu.enqueue_dma source(%arg7 : memref<400x64xf32, #tpu.memory_space<vmem>>) target(%dma_start3A_79 : memref<400x64xf32, #tpu.memory_space<hbm>>) target_semaphore(%arg15 : memref<!tpu.dma_semaphore, #tpu.memory_space<semaphore_mem>>)
      %add3A_80 = arith.constant 2 : i32
      %add3A_81 = arith.addi %add3A_28, %add3A_80 : i32
      %dma_wait3A_82 = arith.constant 0 : i32
      %dma_wait3A_83 = tpu.memref_slice %arg5[%dma_wait3A_82] : memref<25600xi32, #tpu.memory_space<vmem>> -> memref<400xi32, #tpu.memory_space<vmem>>
      %dma_wait3A_84 = arith.constant 0 : i32
      %dma_wait3A_85 = arith.constant 0 : i32
      %dma_wait3A_86 = tpu.memref_slice %arg3[%dma_wait3A_84, %dma_wait3A_85] : memref<1000000x64xf32, #tpu.memory_space<hbm>> -> memref<1000000x64xf32, #tpu.memory_space<hbm>>
      tpu.wait_indirect_dma semaphore(%arg12 : memref<!tpu.dma_semaphore, #tpu.memory_space<semaphore_mem>>) src(%dma_wait3A_86 : memref<1000000x64xf32, #tpu.memory_space<hbm>>) dst(%arg8 : memref<400x64xf32, #tpu.memory_space<vmem>>)
      %ge3A_87 = arith.constant 1 : i32
      %ge3A_88 = arith.cmpi sge, %add3A_81, %ge3A_87 : i32
      %convert_element_type3A_89 = arith.extui %ge3A_88 : i1 to i32
      %cond3A_90 = arith.constant 0 : i32
      %cond3A_91 = arith.cmpi ne, %convert_element_type3A_89, %cond3A_90 : i32
      scf.if %cond3A_91 {
        %dma_wait3A_136 = arith.constant 0 : i32
        %dma_wait3A_137 = tpu.memref_slice %arg4[%mul3A_2, %dma_wait3A_136] : memref<819200x64xf32, #tpu.memory_space<hbm>> -> memref<400x64xf32, #tpu.memory_space<hbm>>
        %dma_wait3A_138 = arith.constant 0 : i32
        %dma_wait3A_139 = tpu.memref_slice %arg4[%mul3A_2, %dma_wait3A_138] : memref<819200x64xf32, #tpu.memory_space<hbm>> -> memref<400x64xf32, #tpu.memory_space<hbm>>
        tpu.wait_dma2 semaphore(%arg15 : memref<!tpu.dma_semaphore, #tpu.memory_space<semaphore_mem>>) src(%arg7 : memref<400x64xf32, #tpu.memory_space<vmem>>) dst(%dma_wait3A_139 : memref<400x64xf32, #tpu.memory_space<hbm>>)
      } else {
      }
      %add3A_92 = arith.constant 4 : i32
      %add3A_93 = arith.addi %add3A_81, %add3A_92 : i32
      %sub3A_94 = arith.constant 1 : i32
      %sub3A_95 = arith.subi %add3A_93, %sub3A_94 : i32
      %lt3A_96 = arith.constant 64 : i32
      %lt3A_97 = arith.cmpi slt, %sub3A_95, %lt3A_96 : i32
      %convert_element_type3A_98 = arith.extui %lt3A_97 : i1 to i32
      %cond3A_99 = arith.constant 0 : i32
      %cond3A_100 = arith.cmpi ne, %convert_element_type3A_98, %cond3A_99 : i32
      scf.if %cond3A_100 {
        %add3A_136 = arith.constant 4 : i32
        %add3A_137 = arith.addi %add3A_81, %add3A_136 : i32
        %sub3A_138 = arith.constant 1 : i32
        %sub3A_139 = arith.subi %add3A_137, %sub3A_138 : i32
        %mul3A_140 = arith.constant 400 : i32
        %mul3A_141 = arith.muli %sub3A_139, %mul3A_140 : i32
        %dma_start3A_142 = tpu.memref_slice %arg5[%mul3A_141] : memref<25600xi32, #tpu.memory_space<vmem>> -> memref<400xi32, #tpu.memory_space<vmem>>
        %dma_start3A_143 = arith.constant 0 : i32
        %dma_start3A_144 = arith.constant 0 : i32
        %dma_start3A_145 = tpu.memref_slice %arg3[%dma_start3A_143, %dma_start3A_144] : memref<1000000x64xf32, #tpu.memory_space<hbm>> -> memref<1000000x64xf32, #tpu.memory_space<hbm>>
        tpu.enqueue_indirect_dma source(%dma_start3A_145 : memref<1000000x64xf32, #tpu.memory_space<hbm>>) target(%arg7 : memref<400x64xf32, #tpu.memory_space<vmem>>) offsets(%dma_start3A_142 : memref<400xi32, #tpu.memory_space<vmem>>) semaphore(%arg11 : memref<!tpu.dma_semaphore, #tpu.memory_space<semaphore_mem>>)
      } else {
      }
      %mul3A_101 = arith.constant 400 : i32
      %mul3A_102 = arith.muli %add3A_81, %mul3A_101 : i32
      %add3A_103 = arith.addi %mul3A_2, %mul3A_102 : i32
      %dma_start3A_104 = arith.constant 0 : i32
      %dma_start3A_105 = tpu.memref_slice %arg4[%add3A_103, %dma_start3A_104] : memref<819200x64xf32, #tpu.memory_space<hbm>> -> memref<400x64xf32, #tpu.memory_space<hbm>>
      %dma_start3A_106 = arith.constant 0 : i32
      %dma_start3A_107 = tpu.memref_slice %arg4[%add3A_103, %dma_start3A_106] : memref<819200x64xf32, #tpu.memory_space<hbm>> -> memref<400x64xf32, #tpu.memory_space<hbm>>
      tpu.enqueue_dma source(%arg8 : memref<400x64xf32, #tpu.memory_space<vmem>>) target(%dma_start3A_107 : memref<400x64xf32, #tpu.memory_space<hbm>>) target_semaphore(%arg16 : memref<!tpu.dma_semaphore, #tpu.memory_space<semaphore_mem>>)
      %add3A_108 = arith.constant 3 : i32
      %add3A_109 = arith.addi %add3A_28, %add3A_108 : i32
      %dma_wait3A_110 = arith.constant 0 : i32
      %dma_wait3A_111 = tpu.memref_slice %arg5[%dma_wait3A_110] : memref<25600xi32, #tpu.memory_space<vmem>> -> memref<400xi32, #tpu.memory_space<vmem>>
      %dma_wait3A_112 = arith.constant 0 : i32
      %dma_wait3A_113 = arith.constant 0 : i32
      %dma_wait3A_114 = tpu.memref_slice %arg3[%dma_wait3A_112, %dma_wait3A_113] : memref<1000000x64xf32, #tpu.memory_space<hbm>> -> memref<1000000x64xf32, #tpu.memory_space<hbm>>
      tpu.wait_indirect_dma semaphore(%arg13 : memref<!tpu.dma_semaphore, #tpu.memory_space<semaphore_mem>>) src(%dma_wait3A_114 : memref<1000000x64xf32, #tpu.memory_space<hbm>>) dst(%arg9 : memref<400x64xf32, #tpu.memory_space<vmem>>)
      %ge3A_115 = arith.constant 1 : i32
      %ge3A_116 = arith.cmpi sge, %add3A_109, %ge3A_115 : i32
      %convert_element_type3A_117 = arith.extui %ge3A_116 : i1 to i32
      %cond3A_118 = arith.constant 0 : i32
      %cond3A_119 = arith.cmpi ne, %convert_element_type3A_117, %cond3A_118 : i32
      scf.if %cond3A_119 {
        %dma_wait3A_136 = arith.constant 0 : i32
        %dma_wait3A_137 = tpu.memref_slice %arg4[%mul3A_2, %dma_wait3A_136] : memref<819200x64xf32, #tpu.memory_space<hbm>> -> memref<400x64xf32, #tpu.memory_space<hbm>>
        %dma_wait3A_138 = arith.constant 0 : i32
        %dma_wait3A_139 = tpu.memref_slice %arg4[%mul3A_2, %dma_wait3A_138] : memref<819200x64xf32, #tpu.memory_space<hbm>> -> memref<400x64xf32, #tpu.memory_space<hbm>>
        tpu.wait_dma2 semaphore(%arg16 : memref<!tpu.dma_semaphore, #tpu.memory_space<semaphore_mem>>) src(%arg8 : memref<400x64xf32, #tpu.memory_space<vmem>>) dst(%dma_wait3A_139 : memref<400x64xf32, #tpu.memory_space<hbm>>)
      } else {
      }
      %add3A_120 = arith.constant 4 : i32
      %add3A_121 = arith.addi %add3A_109, %add3A_120 : i32
      %sub3A_122 = arith.constant 1 : i32
      %sub3A_123 = arith.subi %add3A_121, %sub3A_122 : i32
      %lt3A_124 = arith.constant 64 : i32
      %lt3A_125 = arith.cmpi slt, %sub3A_123, %lt3A_124 : i32
      %convert_element_type3A_126 = arith.extui %lt3A_125 : i1 to i32
      %cond3A_127 = arith.constant 0 : i32
      %cond3A_128 = arith.cmpi ne, %convert_element_type3A_126, %cond3A_127 : i32
      scf.if %cond3A_128 {
        %add3A_136 = arith.constant 4 : i32
        %add3A_137 = arith.addi %add3A_109, %add3A_136 : i32
        %sub3A_138 = arith.constant 1 : i32
        %sub3A_139 = arith.subi %add3A_137, %sub3A_138 : i32
        %mul3A_140 = arith.constant 400 : i32
        %mul3A_141 = arith.muli %sub3A_139, %mul3A_140 : i32
        %dma_start3A_142 = tpu.memref_slice %arg5[%mul3A_141] : memref<25600xi32, #tpu.memory_space<vmem>> -> memref<400xi32, #tpu.memory_space<vmem>>
        %dma_start3A_143 = arith.constant 0 : i32
        %dma_start3A_144 = arith.constant 0 : i32
        %dma_start3A_145 = tpu.memref_slice %arg3[%dma_start3A_143, %dma_start3A_144] : memref<1000000x64xf32, #tpu.memory_space<hbm>> -> memref<1000000x64xf32, #tpu.memory_space<hbm>>
        tpu.enqueue_indirect_dma source(%dma_start3A_145 : memref<1000000x64xf32, #tpu.memory_space<hbm>>) target(%arg8 : memref<400x64xf32, #tpu.memory_space<vmem>>) offsets(%dma_start3A_142 : memref<400xi32, #tpu.memory_space<vmem>>) semaphore(%arg12 : memref<!tpu.dma_semaphore, #tpu.memory_space<semaphore_mem>>)
      } else {
      }
      %mul3A_129 = arith.constant 400 : i32
      %mul3A_130 = arith.muli %add3A_109, %mul3A_129 : i32
      %add3A_131 = arith.addi %mul3A_2, %mul3A_130 : i32
      %dma_start3A_132 = arith.constant 0 : i32
      %dma_start3A_133 = tpu.memref_slice %arg4[%add3A_131, %dma_start3A_132] : memref<819200x64xf32, #tpu.memory_space<hbm>> -> memref<400x64xf32, #tpu.memory_space<hbm>>
      %dma_start3A_134 = arith.constant 0 : i32
      %dma_start3A_135 = tpu.memref_slice %arg4[%add3A_131, %dma_start3A_134] : memref<819200x64xf32, #tpu.memory_space<hbm>> -> memref<400x64xf32, #tpu.memory_space<hbm>>
      tpu.enqueue_dma source(%arg9 : memref<400x64xf32, #tpu.memory_space<vmem>>) target(%dma_start3A_135 : memref<400x64xf32, #tpu.memory_space<hbm>>) target_semaphore(%arg17 : memref<!tpu.dma_semaphore, #tpu.memory_space<semaphore_mem>>)
    }
    %scan3A_20 = arith.constant 16 : i32
    %dma_wait3A = arith.constant 0 : i32
    %dma_wait3A_21 = tpu.memref_slice %arg4[%mul3A_2, %dma_wait3A] : memref<819200x64xf32, #tpu.memory_space<hbm>> -> memref<400x64xf32, #tpu.memory_space<hbm>>
    %dma_wait3A_22 = arith.constant 0 : i32
    %dma_wait3A_23 = tpu.memref_slice %arg4[%mul3A_2, %dma_wait3A_22] : memref<819200x64xf32, #tpu.memory_space<hbm>> -> memref<400x64xf32, #tpu.memory_space<hbm>>
    tpu.wait_dma2 semaphore(%arg17 : memref<!tpu.dma_semaphore, #tpu.memory_space<semaphore_mem>>) src(%arg9 : memref<400x64xf32, #tpu.memory_space<vmem>>) dst(%dma_wait3A_23 : memref<400x64xf32, #tpu.memory_space<hbm>>)
    return
  }
}

</mosaic_0001>

<sc_bundles>
// kernel: kernel.3.cloned.1.call-start
scs
__scs_entry_jumppad:
0x0: {  	(pc) =	sbr.rel $0x88, $3  }
0x1: {  	(tag) =	ssettag $0x0;
	lr =	simm.s32 $0x1  }
0x2: {  	[smem:$0x3F9F] =	sst lr;
	_ =	strace $0xD0000000  }
0x3: {  	_ = 	snop  }
0x4: {  	_ = 	snop  }
0x5: {  	_ = 	snop  }
0x6: {  	_ = 	snop  }
0x7: {  	_ = 	snop  }
__scs_overlays_trampoline_lowered:
0x8: {  	[smem:$0x3FAE] =	sst s0  }
0x9: {  	[smem:$0x3FAF] =	sst s1  }
0xa: {  	[smem:$0x3FB0] =	sst s2  }
0xb: {  	[smem:$0x3FB1] =	sst s3  }
0xc: {  	[smem:$0x3FB2] =	sst s4  }
0xd: {  	[smem:$0x3FB3] =	sst s5  }
0xe: {  	[smem:$0x3FB4] =	sst s6  }
0xf: {  	[smem:$0x3FB5] =	sst s7  }
0x10: {  	[smem:$0x3FB6] =	sst s8  }
0x11: {  	[smem:$0x3FB7] =	sst s9;
	s0 =	simm.s32 @!p0 $0x0  }
0x12: {  	s1 =	sld [smem:$0x3F9D];
	s0 =	simm.s32 @p0 $0x1  }
0x13: {  	[smem:$0x3FB8] =	sst s0;
	s0 =	simm.s32 @!p1 $0x0  }
0x14: {  	s2 =	sld [smem:$0x3F9C];
	s0 =	simm.s32 @p1 $0x1  }
0x15: {  	[smem:$0x3FB9] =	sst s0;
	s0 =	simm.s32 @!p2 $0x0  }
0x16: {  	s3 =	sld [smem:$0x3FDB];
	s0 =	simm.s32 @p2 $0x1  }
0x17: {  	s4 =	simm.s32 $0x1BF5;
	[smem:$0x3FBB] =	sst s0  }
0x18: {  	s0 =	sld [smem:$0x3F9E];
	_ =	swait.ge [sflag:s4], $0x0  }
0x19: {  	s7 =	sld [smem:$0x3F9F]  }
0x1a: {  	s8 =	sadd.s32 $0xFFFFE003, lr  }
0x1b: {  	s9 =	sadd.s32 $0xFFFFFEF7, lr;
	s5 =	simm.s32 $0xFFFFFFFF;
	p2 =	slt.u32 s8, $0xFFFFF086  }
0x1c: {  	p1 =	slt.u32 s9, $0xF7A;
	s5 =	simm.s32 @!p2 $0x0  }
0x1d: {  	s5 =	simm.s32 @p1 $0x1;
	p0 =	seq.s32 s7, s2  }
0x1e: {  	s7 =	smul.u32 @!p0 $0xF7A, s2;
	p2 =	seq.s32 @!p0 s5, $0x0  }
0x1f: {  	s9 =	smul.u32 $0xF7A, s1;
	s8 =	simm.s32 @!p0 $0x1BF5;
	p2 =	por !p2, p0  }
0x20: {  	[sflag:s8] =	ssyncset.s32 @!p0 $0xFFFFF086;
	s6 =	sadd.s32 @!p0 s3, s7;
	s7 =	simm.s32 @!p0 $0x108  }
0x21: {  	s3 =	sadd.s32 s3, s9;
	s6 =	sadd.s32 @!p0 $0x88, s6;
	s7 =	simm.s32 @p2 $0x1082  }
0x22: {  	[simem:s7], [sflag:s8] =	dma.local @!p0 [hbm:s6], $0xF7A  }
0x23: {  	s9 =	sor.u32 $0xD0000000, s2;
	s6 =	simm.s32 $0x108;
	_ =	swait.ge @!p0 [sflag:s8], $0x0  }
0x24: {  	s3 =	sadd.s32 $0x88, s3;
	s6 =	simm.s32 @!p1 $0x1082;
	[sflag:s4] =	ssyncset.s32 $0xFFFFF086  }
0x25: {  	[simem:s6], [sflag:s4] =	dma.local [hbm:s3], $0xF7A  }
0x26: {  	[smem:$0x3F9F] =	sst s1;
	(tag) =	ssettag s2;
	_ =	strace s9  }
0x27: {  	s1 =	sld [smem:$0x3FAF]  }
0x28: {  	s2 =	sld [smem:$0x3FB0]  }
0x29: {  	s4 =	sld [smem:$0x3FB2]  }
0x2a: {  	p0 =	seq.s32 s5, $0x0;
	s5 =	sld [smem:$0x3FB3]  }
0x2b: {  	s6 =	sld [smem:$0x3FB4]  }
0x2c: {  	s7 =	sld [smem:$0x3FB5]  }
0x2d: {  	s3 =	simm.s32 $0x108;
	s8 =	sld [smem:$0x3FB6]  }
0x2e: {  	s3 =	simm.s32 @!p0 $0x1082;
	s9 =	sld [smem:$0x3FB7]  }
0x2f: {  	lr =	sadd.s32 s0, s3;
	s0 =	sld [smem:$0x3FAE]  }
0x30: {  	s3 =	sld [smem:$0x3FB1]  }
0x31: {  	[smem:$0x3FBA] =	sst s10  }
0x32: {  	s10 =	sld [smem:$0x3FB8];
	_ =	sdelay $0x3  }
0x33: {  	p0 =	seq.s32 s10, $0x1;
	s10 =	sld [smem:$0x3FBA];
	_ =	sdelay $0x3  }
0x34: {  	[smem:$0x3FBA] =	sst s10  }
0x35: {  	s10 =	sld [smem:$0x3FB9];
	_ =	sdelay $0x3  }
0x36: {  	p1 =	seq.s32 s10, $0x1;
	s10 =	sld [smem:$0x3FBA];
	_ =	sdelay $0x3  }
0x37: {  	[smem:$0x3FBA] =	sst s10  }
0x38: {  	s10 =	sld [smem:$0x3FBB]  }
0x39: {  	_ = 	snop;
	(pc) =	sbr.ind lr, $3  }
0x3a: {  	_ = 	snop  }
0x3b: {  	_ = 	snop  }
0x3c: {  	p2 =	seq.s32 s10, $0x1;
	s10 =	sld [smem:$0x3FBA]  }
0x3d: {  	_ =	shalt  }
0x3e: {  	_ =	shalt  }
0x3f: {  	_ =	shalt  }
0x40: {  	_ =	shalt  }
0x41: {  	_ =	shalt  }
0x42: {  	_ =	shalt  }
0x43: {  	_ =	shalt  }
0x44: {  	_ =	shalt  }
0x45: {  	_ =	shalt  }
0x46: {  	_ =	shalt  }
0x47: {  	_ =	shalt  }
0x48: {  	_ =	shalt  }
0x49: {  	_ =	shalt  }
0x4a: {  	_ =	shalt  }
0x4b: {  	_ =	shalt  }
0x4c: {  	_ =	shalt  }
0x4d: {  	_ =	shalt  }
0x4e: {  	_ =	shalt  }
0x4f: {  	_ =	shalt  }
0x50: {  	_ =	shalt  }
0x51: {  	_ =	shalt  }
0x52: {  	_ =	shalt  }
0x53: {  	_ =	shalt  }
0x54: {  	_ =	shalt  }
0x55: {  	_ =	shalt  }
0x56: {  	_ =	shalt  }
0x57: {  	_ =	shalt  }
0x58: {  	_ =	shalt  }
0x59: {  	_ =	shalt  }
0x5a: {  	_ =	shalt  }
0x5b: {  	_ =	shalt  }
0x5c: {  	_ =	shalt  }
0x5d: {  	_ =	shalt  }
0x5e: {  	_ =	shalt  }
0x5f: {  	_ =	shalt  }
0x60: {  	_ =	shalt  }
0x61: {  	_ =	shalt  }
0x62: {  	_ =	shalt  }
0x63: {  	_ =	shalt  }
0x64: {  	_ =	shalt  }
0x65: {  	_ =	shalt  }
0x66: {  	_ =	shalt  }
0x67: {  	_ =	shalt  }
0x68: {  	_ =	shalt  }
0x69: {  	_ =	shalt  }
0x6a: {  	_ =	shalt  }
0x6b: {  	_ =	shalt  }
0x6c: {  	_ =	shalt  }
0x6d: {  	_ =	shalt  }
0x6e: {  	_ =	shalt  }
0x6f: {  	_ =	shalt  }
0x70: {  	_ =	shalt  }
0x71: {  	_ =	shalt  }
0x72: {  	_ =	shalt  }
0x73: {  	_ =	shalt  }
0x74: {  	_ =	shalt  }
0x75: {  	_ =	shalt  }
0x76: {  	_ =	shalt  }
0x77: {  	_ =	shalt  }
0x78: {  	_ =	shalt  }
0x79: {  	_ =	shalt  }
0x7a: {  	_ =	shalt  }
0x7b: {  	_ =	shalt  }
0x7c: {  	_ =	shalt  }
0x7d: {  	_ =	shalt  }
0x7e: {  	_ =	shalt  }
0x7f: {  	_ =	shalt  }
0x80: {  	_ =	shalt  }
0x81: {  	_ =	shalt  }
0x82: {  	_ =	shalt  }
0x83: {  	_ =	shalt  }
0x84: {  	_ =	shalt  }
0x85: {  	_ =	shalt  }
0x86: {  	_ =	shalt  }
0x87: {  	_ =	shalt  }
.Lfunc_end0:
.L_simem_size_0:
called_computation.1_lowered:
.L_overlay_start_0:
0x88: {  	s2 =	sld [smem:$0x3FD9]  }
0x89: {  	s3 =	sld [smem:$0x3FFE];
	_ =	sdelay $0x1  }
0x8a: {  	s1 =	srdreg.scid  }
0x8b: {  	s0 =	sand.u32 $0x1, s1  }
0x8c: {  	s17 =	sshll.u32 s0, $0xA;
	s2 =	sadd.s32 s3, s2  }
0x8d: {  	s2 =	sadd.s32 s2, s17  }
0x8e: {  	[smem:$0x3FC6] =	sst s2  }
0x8f: {  	_ = 	snop  }
0x90: {  	s2 =	sld [smem:$0x3FD0];
	(tm) =	ssettm $0x1  }
0x91: {  	s18 =	sld [smem:$0x3FFB];
	_ =	sdelay $0x3  }
0x92: {  	_ =	strace s18  }
0x93: {  	s3 =	sld [smem:$0x3FFC];
	_ =	sdelay $0x3  }
0x94: {  	_ =	strace s3  }
0x95: {  	s3 =	sld [smem:$0x3FFD];
	_ =	sdelay $0x3  }
0x96: {  	_ =	strace s3  }
0x97: {  	_ =	strace $0x8FFFFFFF  }
0x98: {  	s19 =	sld [smem:$0x3FDB];
	_ =	sdelay $0x1  }
0x99: {  	s4 =	simm.s32 $_scs_section_size  }
0x9a: {  	s5 =	simm.s32 $_size__tile_overlayer_lowered;
	s6 =	simm.s32 $_tile_overlayer_lowered  }
0x9b: {  	s22 =	simm.s32 $0x1BFF;
	s21 =	sshll.u32 s6, $0x1;
	s3 =	sadd.s32 s4, s19  }
0x9c: {  	s7 =	simm.s32 $0x0;
	s20 =	sshll.u32 s5, $0x1;
	s5 =	sadd.s32 s21, s3  }
0x9d: {  	[timem:s7], [sflag:s22] =	dma.local [hbm:s5], s20  }
0x9e: {  	_ =	swait.ge [sflag:s22], s20  }
0x9f: {  	s4 =	ssub.s32 $0x0, s20;
	[sflag:s22] =	ssyncset.done $0x0  }
0xa0: {  	[sflag:s22] =	ssyncadd.s32 s4;
	_ =	sdelay $0x1  }
0xa1: {  	s23 =	simm.s32 $0x1B8B  }
0xa2: {  	_ =	swait.ge [sflag:s23], $0x1  }
0xa3: {  	[sflag:s23] =	ssyncset.done $0x0  }
0xa4: {  	s25 =	simm.s32 $0x1B8E;
	s24 =	sld [smem:$0x3FFE];
	[sflag:s23] =	ssyncadd.s32 $0xFFFFFFFF  }
0xa5: {  	s26 =	simm.s32 $execute0_lowered;
	[smem:$0x3FD2] =	sst s25  }
0xa6: {  	s5 =	sshll.u32 s26, $0x1;
	_ =	strace $0x80000046;
	[dreg:$0x1] =	wrdreg $0xFFFFFFFF  }
0xa7: {  	s28 =	simm.s32 $_size_execute0_lowered;
	s3 =	sadd.s32 s3, s5;
	[dreg:$0x0] =	wrdreg $0x0  }
0xa8: {  	s5 =	sshll.u32 s28, $0x1;
	[dreg:$0x2] =	wrdreg s3  }
0xa9: {  	[dreg:$0x3] =	wrdreg s5  }
0xaa: {  	[dreg:$0x4] =	wrdreg $0xC0  }
0xab: {  	_ =	task [dreg:s7], $0x5FFFF  }
0xac: {  	[dreg:$0x1] =	wrdreg $0xFFFFFFFF  }
0xad: {  	[dreg:$0x0] =	wrdreg $0x60  }
0xae: {  	[dreg:$0x2] =	wrdreg s24  }
0xaf: {  	[dreg:$0x3] =	wrdreg s2  }
0xb0: {  	[dreg:$0x4] =	wrdreg $0x9  }
0xb1: {  	_ =	task.clear_ibuf [dreg:s7], $0x5FFFF;
	_ =	strace $0x90000046  }
0xb2: {  	s29 =	simm.s32 $0x9;
	_ =	strace $0x80000048  }
0xb3: {  	_ =	swait.ge [sflag:s29], $0x1  }
0xb4: {  	[sflag:s29] =	ssyncadd.s32 $0xFFFFFFFF  }
0xb5: {  	_ =	strace $0x90000048  }
0xb6: {  	_ =	sfence  }
0xb7: {  	s30 =	sld [smem:$0x0];
	_ =	sdelay $0x2  }
0xb8: {  	s31 =	sshll.u32 s1, $0xD;
	s1 =	sshrl.u32 s1, $0x2  }
0xb9: {  	s3 =	sand.u32 $0x4000, s31;
	s1 =	sadd.s32 s1, s30  }
0xba: {  	s0 =	sor.u32 s3, s0;
	s1 =	sshll.u32 s1, $0x11  }
0xbb: {  	s0 =	sor.u32 s1, s0  }
0xbc: {  	s0 =	sadd.s32 $0x8F2B, s0  }
0xbd: {  	[sflag:s0] =	ssyncadd.remote.s32 $0x1  }
0xbe: {  	_ =	sfence.sel $0xFFFF  }
0xbf: {  	[dreg:$0x0] =	wrdreg $0xFFFFFFFF;
	(pc) =	sbr.abs _section_cstart, $3  }
0xc0: {  	[dreg:$0x1] =	wrdreg $0xFFFFFFFF  }
0xc1: {  	_ =	task.clear_ibuf [dreg:s7], $0x2FFFF;
	_ =	strace $0x9FFFFFFF  }
0xc2: {  	(tm) =	ssettm $0x7FFFFFFF  }
0xc3: {  	_ =	shalt  }
tec
execute0_lowered:
.L_overlay_start_1:
0x0: {  	(tag) =	ssettag $0x1  }
0x1: {  	s1 =	srdreg.scid  }
0x2: {  	s0 =	stileid.u32;
	s3 =	rddreg [dreg:$0x0]  }
0x3: {  	s8 =	rddreg [dreg:$0x1];
	s11 =	simm.s32 $0x190;
	s12 =	simm.s32 $0x6400  }
0x4: {  	s13 =	simm.s32 $0xC800;
	s15 =	simm.s32 $0x12C00;
	s16 =	simm.s32 $0x1  }
0x5: {  	s17 =	simm.s32 $0x19000;
	s18 =	simm.s32 $0x2;
	s19 =	simm.s32 $0x5  }
0x6: {  	s20 =	simm.s32 $0x3;
	s21 =	simm.s32 $0x6;
	s22 =	simm.s32 $0x4  }
0x7: {  	s23 =	simm.s32 $0x7;
	s24 =	simm.s32 $0x8;
	s5 =	smul.u32 $0xC800, s0  }
0x8: {  	s1 =	sand.u32 $0x1, s1;
	s2 =	sshll.u32 s0, $0x1;
	s30 =	smul.u32 $0x64000, s0  }
0x9: {  	s25 =	simm.s32 $0x0;
	s4 =	sor.u32 s1, s2;
	s7 =	smul.u32 $0x6400, s1  }
0xa: {  	s2 =	simm.s32 $0x0;
	s6 =	ssub.s32 $0x2, s1;
	s1 =	smul.u32 $0x32000, s1  }
0xb: {  	s4 =	smul.u32 $0x6400, s4;
	[smem:$0x7FF] =	sst s2;
	s9 =	sshrl.u32 s6, $0x1  }
0xc: {  	_ =	strace $0x80000047;
	s6 =	ssub.s32 s6, s9;
	s5 =	sadd.s32 s7, s5  }
0xd: {  	s4 =	sshrl.u32 s4, $0x3;
	s7 =	sshll.u32 s5, $0x3;
	s31 =	smax.u32 s6, $0x1  }
0xe: {  	s4 =	sadd.s32 s4, s3;
	s3 =	sadd.s32 $0xF42E00, s3;
	[dreg:$0x4] =	wrdreg s31  }
0xf: {  	s10 =	sadd.s32 s8, s7;
	s8 =	sadd.s32 s30, s8;
	s4 =	sadd.s32 $0xA00, s4  }
0x10: {  	s6 =	sadd.s32 $0x1900, s10;
	s7 =	sadd.s32 $0xC80, s10;
	s8 =	sadd.s32 s1, s8  }
0x11: {  	s1 =	sadd.s32 $0x2580, s10;
	s10 =	simm.s32 $0x9;
	[dreg:$0x3] =	wrdreg s4  }
.LBB2_1:
0x12: {  	s0 =	rddreg [dreg:$0x3]  }
0x13: {  	[tilespmem:s2], [sflag:$0x9] =	stream.linear.gather [hbm4b:s0+s2], $0x6400, $0x38;
	[tilespmem:$0x1F400] =	vst v63  }
0x14: {  	_ =	swait.ge [sflag:s10], $0x6400  }
0x15: {  	[sflag:s10] =	ssyncset.done $0x0  }
0x16: {  	[sflag:s10] =	ssyncadd.s32 $0xFFFF9C00  }
0x17: {  	[tilespmem:s12], [sflag:$0x1] =	stream.indirect.gather [hbm4b:s3+s11], $0x40, s2, s11, $0xb8;
	[tilespmem:$0x1F400] =	vst v63  }
0x18: {  	_ = 	snop  }
0x19: {  	[tilespmem:s13], [sflag:$0x2] =	stream.indirect.gather [hbm4b:s3+s11], $0x40, s11, s11, $0xb8;
	[tilespmem:$0x1F400] =	vst v63  }
0x1a: {  	s14 =	simm.s32 $0x320  }
0x1b: {  	[tilespmem:s15], [sflag:$0x3] =	stream.indirect.gather [hbm4b:s3+s11], $0x40, s14, s11, $0xb8;
	[tilespmem:$0x1F400] =	vst v63  }
0x1c: {  	_ =	swait.ge [sflag:s16], $0x6400  }
0x1d: {  	p0 =	por $0x1, $0x1;
	[sflag:s16] =	ssyncset.done $0x0  }
0x1e: {  	s9 =	simm.s32 @!p0 $0x8;
	[sflag:s16] =	ssyncadd.s32 $0xFFFF9C00  }
0x1f: {  	_ =	swait.ge @!p0 [sflag:s9], $0x6400  }
0x20: {  	[sflag:s9] =	ssyncset.done @!p0 $0x0  }
0x21: {  	s26 =	simm.s32 $0x4B0;
	[sflag:s9] =	ssyncadd.s32 @!p0 $0xFFFF9C00  }
0x22: {  	[tilespmem:s17], [sflag:$0x4] =	stream.indirect.gather [hbm4b:s3+s11], $0x40, s26, s11, $0xb8;
	[tilespmem:$0x1F400] =	vst v63  }
0x23: {  	_ = 	snop  }
0x24: {  	[hbm4b:s8+s2] =	stream.linear.scatter [tilespmem:s12], [sflag:$0x5], $0x6400, $0x38;
	[tilespmem:$0x1F400] =	vst v63  }
0x25: {  	_ =	swait.ge [sflag:s18], $0x6400  }
0x26: {  	[sflag:s18] =	ssyncset.done $0x0  }
0x27: {  	[sflag:s18] =	ssyncadd.s32 $0xFFFF9C00  }
0x28: {  	p0 =	por $0x0, $0x0;
	_ =	swait.ge [sflag:s19], $0x6400  }
0x29: {  	s9 =	simm.s32 @!p0 $0x6400;
	[sflag:s19] =	ssyncset.done $0x0  }
0x2a: {  	s26 =	simm.s32 @!p0 $0x640;
	s28 =	simm.s32 @!p0 $0x190;
	[sflag:s19] =	ssyncadd.s32 $0xFFFF9C00  }
0x2b: {  	[tilespmem:s9], [sflag:$0x1] =	stream.indirect.gather @!p0 [hbm4b:s3+s28], $0x40, s26, s28, $0xb8;
	[tilespmem:$0x1F400] =	vst v63  }
0x2c: {  	_ = 	snop  }
0x2d: {  	[hbm4b:s7+s2] =	stream.linear.scatter [tilespmem:s13], [sflag:$0x6], $0x6400, $0x38;
	[tilespmem:$0x1F400] =	vst v63  }
0x2e: {  	_ =	swait.ge [sflag:s20], $0x6400  }
0x2f: {  	[sflag:s20] =	ssyncset.done $0x0  }
0x30: {  	[sflag:s20] =	ssyncadd.s32 $0xFFFF9C00  }
0x31: {  	_ =	swait.ge [sflag:s21], $0x6400  }
0x32: {  	[sflag:s21] =	ssyncset.done $0x0  }
0x33: {  	s9 =	simm.s32 @!p0 $0x7D0;
	s26 =	simm.s32 @!p0 $0xC800;
	[sflag:s21] =	ssyncadd.s32 $0xFFFF9C00  }
0x34: {  	[tilespmem:s26], [sflag:$0x2] =	stream.indirect.gather @!p0 [hbm4b:s3+s28], $0x40, s9, s28, $0xb8;
	[tilespmem:$0x1F400] =	vst v63  }
0x35: {  	_ = 	snop  }
0x36: {  	[hbm4b:s6+s2] =	stream.linear.scatter [tilespmem:s15], [sflag:$0x7], $0x6400, $0x38;
	[tilespmem:$0x1F400] =	vst v63  }
0x37: {  	_ =	swait.ge [sflag:s22], $0x6400  }
0x38: {  	[sflag:s22] =	ssyncset.done $0x0  }
0x39: {  	[sflag:s22] =	ssyncadd.s32 $0xFFFF9C00  }
0x3a: {  	s29 =	sadd.s32 $0x3200, s6;
	_ =	swait.ge [sflag:s23], $0x6400  }
0x3b: {  	s30 =	sadd.s32 $0x3200, s7;
	s31 =	sadd.s32 $0x3200, s8;
	[sflag:s23] =	ssyncset.done $0x0  }
0x3c: {  	s9 =	simm.s32 @!p0 $0x960;
	s26 =	simm.s32 @!p0 $0x12C00;
	[sflag:s23] =	ssyncadd.s32 $0xFFFF9C00  }
0x3d: {  	[tilespmem:s26], [sflag:$0x3] =	stream.indirect.gather @!p0 [hbm4b:s3+s28], $0x40, s9, s28, $0xb8;
	[tilespmem:$0x1F400] =	vst v63  }
0x3e: {  	s26 =	simm.s32 $0x1900;
	s28 =	sadd.s32 $0x3200, s1;
	s9 =	smov.u32 s1  }
.LBB2_2:
0x3f: {  	[hbm4b:s9+s2] =	stream.linear.scatter [tilespmem:s17], [sflag:$0x8], $0x6400, $0x38;
	[tilespmem:$0x1F400] =	vst v63  }
0x40: {  	s0 =	smov.u32 s26;
	s26 =	sadd.s32 $0x1900, s26;
	_ =	swait.ge [sflag:s16], $0x6400  }
0x41: {  	p1 =	seq.s32 s0, $0x0;
	p0 =	sne.s32 s26, $0x19000;
	[sflag:s16] =	ssyncset.done $0x0  }
0x42: {  	s9 =	smov.u32 s28;
	s14 =	simm.s32 @!p1 $0x8;
	[sflag:s16] =	ssyncadd.s32 $0xFFFF9C00  }
0x43: {  	_ =	swait.ge @!p1 [sflag:s14], $0x6400  }
0x44: {  	s4 =	sshra.s32 s0, $0x2;
	[sflag:s14] =	ssyncset.done @!p1 $0x0  }
0x45: {  	s4 =	sadd.s32 $0x4B0, s4;
	[sflag:s14] =	ssyncadd.s32 @!p1 $0xFFFF9C00  }
0x46: {  	[tilespmem:s17], [sflag:$0x4] =	stream.indirect.gather [hbm4b:s3+s11], $0x40, s4, s11, $0xb8;
	[tilespmem:$0x1F400] =	vst v63  }
0x47: {  	_ = 	snop  }
0x48: {  	[hbm4b:s31+s2] =	stream.linear.scatter [tilespmem:s12], [sflag:$0x5], $0x6400, $0x38;
	[tilespmem:$0x1F400] =	vst v63  }
0x49: {  	_ =	swait.ge [sflag:s18], $0x6400  }
0x4a: {  	[sflag:s18] =	ssyncset.done $0x0  }
0x4b: {  	[sflag:s18] =	ssyncadd.s32 $0xFFFF9C00  }
0x4c: {  	p1 =	seq.s32 s0, $0x17700;
	_ =	swait.ge [sflag:s19], $0x6400  }
0x4d: {  	s0 =	sshra.s32 @!p1 s0, $0x2;
	s4 =	simm.s32 @!p1 $0x6400;
	[sflag:s19] =	ssyncset.done $0x0  }
0x4e: {  	s5 =	simm.s32 @!p1 $0x190;
	s14 =	sadd.s32 @!p1 $0x640, s0;
	[sflag:s19] =	ssyncadd.s32 $0xFFFF9C00  }
0x4f: {  	[tilespmem:s4], [sflag:$0x1] =	stream.indirect.gather @!p1 [hbm4b:s3+s5], $0x40, s14, s5, $0xb8;
	[tilespmem:$0x1F400] =	vst v63  }
0x50: {  	s4 =	sadd.s32 @!p1 $0x7D0, s0;
	s0 =	sadd.s32 @!p1 $0x960, s0  }
0x51: {  	[hbm4b:s30+s2] =	stream.linear.scatter [tilespmem:s13], [sflag:$0x6], $0x6400, $0x38;
	[tilespmem:$0x1F400] =	vst v63  }
0x52: {  	_ =	swait.ge [sflag:s20], $0x6400  }
0x53: {  	[sflag:s20] =	ssyncset.done $0x0  }
0x54: {  	[sflag:s20] =	ssyncadd.s32 $0xFFFF9C00  }
0x55: {  	_ =	swait.ge [sflag:s21], $0x6400  }
0x56: {  	[sflag:s21] =	ssyncset.done $0x0  }
0x57: {  	s14 =	simm.s32 @!p1 $0xC800;
	[sflag:s21] =	ssyncadd.s32 $0xFFFF9C00  }
0x58: {  	[tilespmem:s14], [sflag:$0x2] =	stream.indirect.gather @!p1 [hbm4b:s3+s5], $0x40, s4, s5, $0xb8;
	[tilespmem:$0x1F400] =	vst v63  }
0x59: {  	_ = 	snop  }
0x5a: {  	[hbm4b:s29+s2] =	stream.linear.scatter [tilespmem:s15], [sflag:$0x7], $0x6400, $0x38;
	[tilespmem:$0x1F400] =	vst v63  }
0x5b: {  	_ =	swait.ge [sflag:s22], $0x6400  }
0x5c: {  	[sflag:s22] =	ssyncset.done $0x0  }
0x5d: {  	[sflag:s22] =	ssyncadd.s32 $0xFFFF9C00  }
.Ltmp0:
0x5e: {  	_ =	swait.ge [sflag:s23], $0x6400;
	(pc) =	sbr.rel @p0 .LBB2_2-.Ltmp0, $4  }
0x5f: {  	[sflag:s23] =	ssyncset.done $0x0  }
0x60: {  	s28 =	sadd.s32 $0x3200, s28;
	s4 =	simm.s32 @!p1 $0x12C00;
	[sflag:s23] =	ssyncadd.s32 $0xFFFF9C00  }
0x61: {  	[tilespmem:s4], [sflag:$0x3] =	stream.indirect.gather @!p1 [hbm4b:s3+s5], $0x40, s0, s5, $0xb8;
	[tilespmem:$0x1F400] =	vst v63  }
0x62: {  	s31 =	sadd.s32 $0x3200, s31;
	s30 =	sadd.s32 $0x3200, s30;
	s29 =	sadd.s32 $0x3200, s29  }
0x63: {  	[hbm4b:s9+s2] =	stream.linear.scatter [tilespmem:s17], [sflag:$0x8], $0x6400, $0x38;
	[tilespmem:$0x1F400] =	vst v63  }
0x64: {  	_ =	swait.ge [sflag:s24], $0x6400  }
0x65: {  	s25 =	sadd.s32 $0x1, s25;
	s0 =	rddreg [dreg:$0x4]  }
0x66: {  	p0 =	sne.s32 s25, s0  }
.Ltmp1:
0x67: {  	_ = 	snop;
	(pc) =	sbr.rel @p0 .LBB2_1-.Ltmp1, $3  }
0x68: {  	_ =	sdelay $0x1  }
0x69: {  	[sflag:s24] =	ssyncset.done $0x0  }
0x6a: {  	[sflag:s24] =	ssyncadd.s32 $0xFFFF9C00  }
0x6b: {  	_ =	sfence.sel $0x180000  }
0x6c: {  	[bflag:$0x0] =	sbarrier.arrive $0xFFFF  }
0x6d: {  	_ =	strace $0x90000047  }
0x6e: {  	s0 =	stileid.u32;
	[bflag:$0x2] =	sbarrier.arrive $0xFFFF  }
0x6f: {  	p0 =	sne.s32 s0, $0x0;
	s0 =	rddreg [dreg:$0x2]  }
0x70: {  	s0 =	sadd.s32 @!p0 $0x100000, s0  }
0x71: {  	[sflag:s0] =	ssyncadd.tile.s32 @!p0 $0x1;
	_ =	shalt  }
.Lfunc_end2:
_tile_overlayer_lowered:
.L_overlay_start_2:
0x72: {  	(tag) =	ssettag $0x2  }
0x73: {  	s0 =	rddreg [dreg:$0x0];
	s2 =	stileid.u32  }
0x74: {  	s1 =	rddreg [dreg:$0x1];
	p0 =	sne.s32 s2, $0x0  }
0x75: {  	s3 =	rddreg [dreg:$0x2];
	[bflag:$0x3] =	sbarrier.arrive $0xFFFF;
	s2 =	simm.s32 @!p0 $0x1C09  }
0x76: {  	[timem:s3], [sflag:s2] =	dma.local @!p0 [hbm:s0], s1  }
0x77: {  	s0 =	simm.s32 @!p0 $0x9  }
0x78: {  	_ =	swait.ge @!p0 [sflag:s0], s1  }
0x79: {  	s1 =	ssub.s32 @!p0 $0x0, s1;
	[sflag:s0] =	ssyncset.done @!p0 $0x0  }
0x7a: {  	[sflag:s0] =	ssyncadd.s32 @!p0 s1  }
0x7b: {  	[bflag:$0x3] =	sbarrier.arrive $0xFFFF  }
0x7c: {  	_ =	shalt  }

// kernel: sparse-core-data-format-call.cloned.1.call-start
scs
called_computation_lowered:
.L_overlay_start_0:
0x0: {  	s2 =	sld [smem:$0x3FD9]  }
0x1: {  	s3 =	sld [smem:$0x3FFE];
	_ =	sdelay $0x1  }
0x2: {  	s1 =	srdreg.scid  }
0x3: {  	s0 =	sand.u32 $0x1, s1  }
0x4: {  	s18 =	sshll.u32 s0, $0xA;
	s2 =	sadd.s32 s3, s2  }
0x5: {  	s2 =	sadd.s32 s2, s18  }
0x6: {  	[smem:$0x3FC6] =	sst s2  }
0x7: {  	_ = 	snop  }
0x8: {  	s2 =	sld [smem:$0x3FD0];
	(tm) =	ssettm $0x1  }
0x9: {  	s19 =	sld [smem:$0x3FFB];
	_ =	sdelay $0x3  }
0xa: {  	_ =	strace s19  }
0xb: {  	s3 =	sld [smem:$0x3FFC];
	_ =	sdelay $0x3  }
0xc: {  	_ =	strace s3  }
0xd: {  	s3 =	sld [smem:$0x3FFD];
	_ =	sdelay $0x3  }
0xe: {  	_ =	strace s3  }
0xf: {  	_ =	strace $0x8FFFFFFF  }
0x10: {  	s20 =	sld [smem:$0x3FDB];
	_ =	sdelay $0x1  }
0x11: {  	s4 =	simm.s32 $_scs_section_size  }
0x12: {  	s5 =	simm.s32 $_size__tile_overlayer_lowered;
	s6 =	simm.s32 $_tile_overlayer_lowered  }
0x13: {  	s23 =	simm.s32 $0x1BFF;
	s22 =	sshll.u32 s6, $0x1;
	s3 =	sadd.s32 s4, s20  }
0x14: {  	s7 =	simm.s32 $0x0;
	s21 =	sshll.u32 s5, $0x1;
	s5 =	sadd.s32 s22, s3  }
0x15: {  	[timem:s7], [sflag:s23] =	dma.local [hbm:s5], s21  }
0x16: {  	_ =	swait.ge [sflag:s23], s21  }
0x17: {  	s4 =	ssub.s32 $0x0, s21;
	[sflag:s23] =	ssyncset.done $0x0  }
0x18: {  	[sflag:s23] =	ssyncadd.s32 s4;
	_ =	sdelay $0x1  }
0x19: {  	s24 =	simm.s32 $0x1B8B  }
0x1a: {  	_ =	swait.ge [sflag:s24], $0x1  }
0x1b: {  	[sflag:s24] =	ssyncset.done $0x0  }
0x1c: {  	s26 =	simm.s32 $0x1B8E;
	s25 =	sld [smem:$0x3FFE];
	[sflag:s24] =	ssyncadd.s32 $0xFFFFFFFF  }
0x1d: {  	s27 =	simm.s32 $execute0_lowered;
	[smem:$0x3FD2] =	sst s26  }
0x1e: {  	s5 =	sshll.u32 s27, $0x1;
	_ =	strace $0x80000049;
	[dreg:$0x1] =	wrdreg $0xFFFFFFFF  }
0x1f: {  	s28 =	simm.s32 $_size_execute0_lowered;
	s3 =	sadd.s32 s3, s5;
	[dreg:$0x0] =	wrdreg $0x0  }
0x20: {  	s5 =	sshll.u32 s28, $0x1;
	[dreg:$0x2] =	wrdreg s3  }
0x21: {  	[dreg:$0x3] =	wrdreg s5  }
0x22: {  	[dreg:$0x4] =	wrdreg $0xC0  }
0x23: {  	_ =	task [dreg:s7], $0x5FFFF  }
0x24: {  	[dreg:$0x1] =	wrdreg $0xFFFFFFFF  }
0x25: {  	[dreg:$0x0] =	wrdreg $0x60  }
0x26: {  	[dreg:$0x2] =	wrdreg s25  }
0x27: {  	[dreg:$0x3] =	wrdreg s2  }
0x28: {  	[dreg:$0x4] =	wrdreg $0x9  }
0x29: {  	_ =	task.clear_ibuf [dreg:s7], $0x5FFFF;
	_ =	strace $0x90000049  }
0x2a: {  	s29 =	simm.s32 $0x9;
	_ =	strace $0x8000004B  }
0x2b: {  	_ =	swait.ge [sflag:s29], $0x1  }
0x2c: {  	[sflag:s29] =	ssyncadd.s32 $0xFFFFFFFF  }
0x2d: {  	_ =	strace $0x9000004B  }
0x2e: {  	_ =	sfence  }
0x2f: {  	s30 =	sld [smem:$0x0];
	_ =	sdelay $0x2  }
0x30: {  	s31 =	sshll.u32 s1, $0xD;
	s1 =	sshrl.u32 s1, $0x2  }
0x31: {  	s3 =	sand.u32 $0x4000, s31;
	s1 =	sadd.s32 s1, s30  }
0x32: {  	s0 =	sor.u32 s3, s0;
	s1 =	sshll.u32 s1, $0x11  }
0x33: {  	s0 =	sor.u32 s1, s0  }
0x34: {  	s0 =	sadd.s32 $0x8F2B, s0  }
0x35: {  	[sflag:s0] =	ssyncadd.remote.s32 $0x1  }
0x36: {  	_ =	sfence.sel $0xFFFF  }
0x37: {  	[dreg:$0x0] =	wrdreg $0xFFFFFFFF;
	(pc) =	sbr.abs _section_cstart, $3  }
0x38: {  	[dreg:$0x1] =	wrdreg $0xFFFFFFFF  }
0x39: {  	_ =	task.clear_ibuf [dreg:s7], $0x2FFFF;
	_ =	strace $0x9FFFFFFF  }
0x3a: {  	(tm) =	ssettm $0x7FFFFFFF  }
0x3b: {  	_ =	shalt  }
tec
execute0_lowered:
.L_overlay_start_1:
0x0: {  	(tag) =	ssettag $0x1  }
0x1: {  	s0 =	srdreg.scid  }
0x2: {  	s1 =	sshll.u32 s0, $0x4  }
0x3: {  	s0 =	stileid.u32;
	s1 =	sand.u32 $0x10, s1  }
0x4: {  	s7 =	rddreg [dreg:$0x0];
	s1 =	sor.u32 s0, s1  }
0x5: {  	s4 =	simm.s32 $0x1;
	s8 =	simm.s32 $0x2;
	s2 =	sshll.u32 s1, $0x7  }
0x6: {  	s13 =	simm.s32 $0x0;
	s9 =	simm.s32 $0x20000;
	s1 =	ssub.s32 $0x4000, s2  }
0x7: {  	s14 =	simm.s32 $0x0;
	s11 =	simm.s32 $0x0;
	s3 =	sand.u32 $0xF80, s1  }
0x8: {  	s12 =	simm.s32 $0x0;
	s5 =	sshrl.u32 s1, $0xC;
	p0 =	sne.s32 s3, $0x0  }
.Ltmp0:
0x9: {  	s1 =	rddreg [dreg:$0x2];
	s4 =	simm.s32 @!p0 $0x0;
	(pc) =	sbr.rel .LBB1_1-.Ltmp0, $4  }
0xa: {  	s6 =	sadd.s32 $0xA00, s7;
	s3 =	rddreg [dreg:$0x1];
	s5 =	sadd.s32 s4, s5  }
0xb: {  	_ =	strace $0x8000004A;
	s4 =	simm.s32 $0x1;
	s5 =	smul.u32 $0x19, s5  }
0xc: {  	s7 =	sadd.s32 $0x40A00, s7;
	s10 =	smov.u32 s2;
	[sflag:s4] =	ssyncpa.u1 $0x0  }
0xd: {  	p0 =	por $0x0, $0x0;
	[sflag:s8] =	ssyncpa.u1 $0x0;
	s8 =	sadd.s32 $0x1, s5  }
.LBB1_7:
0xe: {  	s15 =	sadd.s32 $0x1000, s10  }
0xf: {  	s13 =	sadd.s32 $0x2, s11;
	s17 =	smov.u32 s11;
	p2 =	sgt.s32 s15, $0x3FFF  }
0x10: {  	s17 =	smov.u32 @p2 s13  }
0x11: {  	s15 =	smov.u32 @p2 s2;
	p2 =	sgt.s32 s17, $0x31  }
0x12: {  	s17 =	simm.s32 @p2 $0x0;
	p2 =	sne.s32 s12, s8  }
.Ltmp1:
0x13: {  	p1 =	slt.u32 s12, $0x2;
	(pc) =	sbr.rel @!p2 .LBB1_8-.Ltmp1, $4  }
0x14: {  	s16 =	simm.s32 @!p1 $0x2  }
0x15: {  	s14 =	smov.u32 s11;
	p0 =	por !p0, !p0;
	_ =	swait.ge @!p1 [sflag:s16], $0x4000  }
0x16: {  	s13 =	smov.u32 s10;
	[sflag:s16] =	ssyncset.done @!p1 $0x0;
	s10 =	smov.u32 s15  }
0x17: {  	s12 =	sadd.s32 $0x1, s12;
	[sflag:s16] =	ssyncadd.s32 @!p1 $0xFFFFC000;
	s11 =	smov.u32 s17  }
.LBB1_1:
0x18: {  	p1 =	sge.u32 s12, s5  }
0x19: {  	s15 =	sxor.u32 @!p1 $0xFFFFFFFF, s12;
	s16 =	sshll.u32 @!p1 s11, $0x12  }
0x1a: {  	s17 =	sshll.u32 @!p1 s10, $0x4;
	s19 =	simm.s32 @!p1 $0x40;
	s20 =	simm.s32 @!p1 $0x80  }
0x1b: {  	s15 =	sshll.u32 @!p1 s15, $0xE;
	s17 =	sand.u32 @!p1 $0x3FFF0, s17;
	s18 =	sadd.s32 @!p1 s6, s16  }
0x1c: {  	s16 =	sadd.s32 @!p1 s16, s7;
	s15 =	sand.u32 @!p1 $0x4000, s15;
	s18 =	sadd.s32 @!p1 s17, s18  }
0x1d: {  	[tilespmem:s15], [sflag:$0x1] =	stream.strided.gather @!p1 [hbm4b:s18+s19], $0x2000, s20, s19, $0x38;
	[tilespmem:$0x10100] =	vst v63  }
0x1e: {  	s31 =	sadd.s32 $0xFFFFFFFF, s12;
	s16 =	sadd.s32 @!p1 s17, s16;
	s15 =	sor.u32 @!p1 $0x2000, s15  }
0x1f: {  	[tilespmem:s15], [sflag:$0x1] =	stream.strided.gather @!p1 [hbm4b:s16+s19], $0x2000, s20, s19, $0x38;
	[tilespmem:$0x10100] =	vst v63  }
0x20: {  	p1 =	sge.u32 s31, s5  }
.Ltmp2:
0x21: {  	_ = 	snop;
	(pc) =	sbr.rel @p1 .LBB1_7-.Ltmp2, $1  }
0x22: {  	_ =	sdelay $0x3  }
0x23: {  	s15 =	simm.s32 $0x1;
	s17 =	sand.u32 $0x1, s12  }
0x24: {  	_ =	swait.ge [sflag:s4], $0x4000;
	s15 =	simm.s32 @!p0 $0x0;
	s17 =	smul.u32 $0x10200, s17  }
0x25: {  	p2 =	por $0x1, $0x1;
	[sflag:s4] =	ssyncset.done $0x0;
	s16 =	smul.u32 $0x10200, s15  }
0x26: {  	s18 =	sshll.u32 s15, $0x10;
	[sflag:s4] =	ssyncadd.s32 $0xFFFFC000;
	s30 =	sshrl.u32 s17, $0x2  }
0x27: {  	s31 =	sshrl.u32 s18, $0x2;
	s18 =	simm.s32 $0x0;
	s16 =	sshrl.u32 s16, $0x2  }
0x28: {  	s15 =	sor.u32 $0x8000, s30;
	s17 =	sadd.s32 $0x20, s31;
	s16 =	sor.u32 $0x8000, s16  }
.LBB1_3:
0x29: {  	s19 =	sshll.u32 s18, $0xD  }
0x2a: {  	s19 =	sand.u32 $0x3FFFE000, s19  }
0x2b: {  	s21 =	sadd.s32 s19, s17  }
0x2c: {  	s31 =	smul.u32 $0x8100, s18;
	v3 =	vld [tilespmem:s21+$0x10]  }
0x2d: {  	v1 =	vld [tilespmem:s21+$0xFFFFFFF0]  }
0x2e: {  	s18 =	sshra.s32 s31, $0x2;
	v0 =	vld [tilespmem:s21+$0x0]  }
0x2f: {  	s18 =	sadd.s32 s18, s16;
	v2 =	vld [tilespmem:s21+$0xFFFFFFE0]  }
0x30: {  	s19 =	sadd.s32 $0x0, s18  }
0x31: {  	p1 =	por p2, p2;
	s20 =	simm.s32 $0x4;
	s21 =	sadd.s32 $0x40, s21;
	[tilespmem:s19+$0x1830 ss:$0x81] =	vst.msk $0xffff, v3  }
.LBB1_4:
0x32: {  	v3 =	vld [tilespmem:s21+$0x10];
	p2 =	sne.s32 s20, $0x1FC;
	[tilespmem:s19+$0x810 ss:$0x81] =	vst.msk $0xffff, v1;
	s22 =	smov.u32 s20;
	s20 =	sadd.s32 $0x4, s20  }
.Ltmp3:
0x33: {  	v1 =	vld [tilespmem:s21+$0xFFFFFFF0];
	[tilespmem:s19+$0x1020 ss:$0x81] =	vst.msk $0xffff, v0;
	(pc) =	sbr.rel @p2 .LBB1_4-.Ltmp3, $4  }
0x34: {  	v0 =	vld [tilespmem:s21+$0x0];
	[tilespmem:s19+$0x0 ss:$0x81] =	vst.msk $0xffff, v2  }
0x35: {  	s19 =	sshra.s32 s22, $0x2;
	v2 =	vld [tilespmem:s21+$0xFFFFFFE0]  }
0x36: {  	s19 =	sadd.s32 s19, s18  }
0x37: {  	s21 =	sadd.s32 $0x40, s21;
	[tilespmem:s19+$0x1830 ss:$0x81] =	vst.msk $0xffff, v3  }
.Ltmp4:
0x38: {  	(pc) =	sbr.rel @p1 .LBB1_3-.Ltmp4, $4  }
0x39: {  	_ = 	snop  }
0x3a: {  	[tilespmem:s19+$0x810 ss:$0x81] =	vst.msk $0xffff, v1  }
0x3b: {  	[tilespmem:s19+$0x1020 ss:$0x81] =	vst.msk $0xffff, v0  }
0x3c: {  	s18 =	simm.s32 $0x1;
	p2 =	por $0x0, $0x0;
	[tilespmem:s19+$0x0 ss:$0x81] =	vst.msk $0xffff, v2  }
0x3d: {  	s16 =	sshll.u32 s13, $0x3;
	s17 =	sand.u32 $0x78, s13;
	s14 =	sshll.u32 s14, $0x11  }
.Ltmp5:
0x3e: {  	s30 =	sand.u32 $0x1F800, s13;
	s16 =	sand.u32 $0x3C00, s16;
	(pc) =	sbr.rel .LBB1_7-.Ltmp5, $4  }
0x3f: {  	s31 =	sand.u32 $0x7, s13;
	s14 =	sadd.s32 s3, s14;
	s16 =	sor.u32 s17, s16  }
0x40: {  	s13 =	sshll.u32 s31, $0x12;
	s14 =	sadd.s32 s30, s14;
	s16 =	sshrl.u32 s16, $0x3  }
0x41: {  	s13 =	sor.u32 $0x400, s13;
	s14 =	sadd.s32 s16, s14  }
0x42: {  	[hbm4b:s14+s13] =	stream.strided.scatter [tilespmem:s15], [sflag:$0x2], $0x4000, s9, s13, $0x20;
	[tilespmem:$0x10100] =	vst v63  }
.LBB1_8:
0x43: {  	_ =	sfence.sel $0x180000  }
0x44: {  	s2 =	simm.s32 $0x1;
	[bflag:$0x0] =	sbarrier.arrive $0xFFFF  }
0x45: {  	s31 =	simm.s32 $0x2;
	[sflag:s2] =	ssyncpa.u1 $0x1  }
0x46: {  	[sflag:s31] =	ssyncpa.u1 $0x1  }
0x47: {  	p0 =	sne.s32 s0, $0x0;
	_ =	strace $0x9000004A  }
0x48: {  	s0 =	sadd.s32 @!p0 $0x100000, s1;
	[bflag:$0x2] =	sbarrier.arrive $0xFFFF  }
0x49: {  	[sflag:s0] =	ssyncadd.tile.s32 @!p0 $0x1;
	_ =	shalt  }
.Lfunc_end1:
_tile_overlayer_lowered:
.L_overlay_start_2:
0x4a: {  	(tag) =	ssettag $0x2  }
0x4b: {  	s0 =	rddreg [dreg:$0x0];
	s2 =	stileid.u32  }
0x4c: {  	s1 =	rddreg [dreg:$0x1];
	p0 =	sne.s32 s2, $0x0  }
0x4d: {  	s3 =	rddreg [dreg:$0x2];
	[bflag:$0x3] =	sbarrier.arrive $0xFFFF;
	s2 =	simm.s32 @!p0 $0x1C01  }
0x4e: {  	[timem:s3], [sflag:s2] =	dma.local @!p0 [hbm:s0], s1  }
0x4f: {  	s0 =	simm.s32 @!p0 $0x1  }
0x50: {  	_ =	swait.ge @!p0 [sflag:s0], s1  }
0x51: {  	s1 =	ssub.s32 @!p0 $0x0, s1;
	[sflag:s0] =	ssyncset.done @!p0 $0x0  }
0x52: {  	[sflag:s0] =	ssyncadd.s32 @!p0 s1  }
0x53: {  	[bflag:$0x3] =	sbarrier.arrive $0xFFFF  }
0x54: {  	_ =	shalt  }

</sc_bundles>
